<compile_context>
chip_gen: v7x
topology: tpu7x:2x2x1
jax: 0.10.2.dev20260603
libtpu: 0.0.44.dev20260713+nightly
codegen_flags: <defaults>
</compile_context>

<pallas_src>
import functools

import jax
import jax.numpy as jnp
from jax import lax
from jax.experimental import pallas as pl
from jax.experimental.pallas import tpu as pltpu
from jax.experimental.pallas import tpu_sc as plsc

NUM_EMB = 1000000
EMB_DIM = 64
RANK = 16
SCALING = 32.0 / 16.0
NUM_CORES = 2
NUM_SUBCORES = 16
NW = NUM_CORES * NUM_SUBCORES
CHUNK = 128
PACK_BN = 8192
PACK_C = 499712


def _fuse_block(wtA_ref, wtB_ref, atA_ref, atB_ref, bt_ref, f_ref):
  cA = wtA_ref[...] + SCALING * jnp.dot(
      bt_ref[...], atA_ref[...], preferred_element_type=jnp.float32)
  cB = wtB_ref[...] + SCALING * jnp.dot(
      bt_ref[...], atB_ref[...], preferred_element_type=jnp.float32)
  f_ref[...] = jnp.concatenate([cA.T, cB.T], axis=1)


def _build_fused_table(weight, lora_A, lora_B):
  n = weight.shape[0]
  nb = PACK_C // PACK_BN
  n2 = n - PACK_C
  grid = (n2 + PACK_BN - 1) // PACK_BN
  return pl.pallas_call(
      _fuse_block,
      grid=(grid,),
      in_specs=[
          pl.BlockSpec((EMB_DIM, PACK_BN), lambda i: (0, i)),
          pl.BlockSpec((EMB_DIM, PACK_BN), lambda i: (0, i + nb)),
          pl.BlockSpec((RANK, PACK_BN), lambda i: (0, i)),
          pl.BlockSpec((RANK, PACK_BN), lambda i: (0, i + nb)),
          pl.BlockSpec((EMB_DIM, RANK), lambda i: (0, 0)),
      ],
      out_specs=pl.BlockSpec((PACK_BN, 2 * EMB_DIM), lambda i: (i, 0)),
      out_shape=jax.ShapeDtypeStruct((n2, 2 * EMB_DIM), jnp.float32),
  )(weight.T, weight.T, lora_A.T, lora_A.T, lora_B.T)


def _make_gather(n_idx):
  assert n_idx % (NW * 2 * CHUNK) == 0
  per_w = n_idx // NW
  n_step = per_w // CHUNK
  mesh = plsc.VectorSubcoreMesh(core_axis_name="c", subcore_axis_name="s")

  @functools.partial(
      pl.kernel,
      out_type=jax.ShapeDtypeStruct((n_idx, EMB_DIM), jnp.float32),
      mesh=mesh,
      scratch_types=[
          pltpu.VMEM((n_step, CHUNK), jnp.int32),
          pltpu.VMEM((2, CHUNK, EMB_DIM), jnp.float32),
          pltpu.SemaphoreType.DMA,
          pltpu.SemaphoreType.DMA,
          pltpu.SemaphoreType.DMA,
          pltpu.SemaphoreType.DMA,
      ],
      compiler_params=pltpu.CompilerParams(use_tc_tiling_on_sc=False),
  )
  def gather_rows(x_hbm, f_hbm, out_hbm, idx_all, rows_v, gs0, gs1, ws0, ws1):
    gs = (gs0, gs1)
    ws = (ws0, ws1)
    wid = lax.axis_index("s") * NUM_CORES + lax.axis_index("c")
    base = wid * per_w
    pltpu.sync_copy(x_hbm.at[wid], idx_all)

    def issue(i, s):
      pltpu.async_copy(f_hbm.at[idx_all.at[i]], rows_v.at[s], gs[s])

    def drain_gather(s):
      pltpu.make_async_copy(f_hbm.at[pl.ds(0, CHUNK)], rows_v.at[s], gs[s]).wait()

    def drain_write(s):
      pltpu.make_async_copy(
          rows_v.at[s], out_hbm.at[pl.ds(0, CHUNK)], ws[s]).wait()

    issue(0, 0)

    def outer(g, carry):
      for b in range(2):
        i = 2 * g + b
        nxt = i + 1

        @pl.when(nxt < n_step)
        def _():
          if b == 1:
            drain_write(0)
          else:

            @pl.when(i >= 1)
            def _():
              drain_write(1)

          issue(nxt, 1 - b)

        drain_gather(b)
        off = base + i * CHUNK
        pltpu.async_copy(rows_v.at[b], out_hbm.at[pl.ds(off, CHUNK)], ws[b])
      return carry

    lax.fori_loop(0, n_step // 2, outer, 0, unroll=False)
    drain_write(0)
    drain_write(1)

  return gather_rows


def kernel(x, weight, lora_A, lora_B):
  b, l = x.shape
  n = b * l
  xi = x.astype(jnp.int32)
  xj = jnp.where(xi < PACK_C, 2 * xi, 2 * (xi - PACK_C) + 1)
  xf = xj.reshape(NW, n // (NW * CHUNK), CHUNK)
  fused2 = _build_fused_table(weight, lora_A, lora_B)
  fused = fused2.reshape(2 * fused2.shape[0], EMB_DIM)
  out = _make_gather(n)(xf, fused)
  return out.reshape(b, l, EMB_DIM)

# --- scband reference (transcript-rebuilt; emitter-appended) ---
"""Pipeline reference for scband-lo-raembedding-23038204576316 (READ-ONLY COPY).

The authoritative reference and input builder live on the scoring server;
editing this copy changes nothing except your own understanding.
"""

import jax, jax.numpy as jnp
import numpy as np

NUM_EMB = 1000000
EMB_DIM = 64
RANK = 16
ALPHA = 32
SCALING = ALPHA / RANK
B = 16384
L = 50

def setup_inputs(seed: int = 0) -> dict:
    key = jax.random.key(seed)
    k1, k2, k3, k4 = jax.random.split(key, 4)
    x = jax.random.randint(k1, (B, L), 0, NUM_EMB, dtype=jnp.int64) if jax.config.jax_enable_x64 else jax.random.randint(k1, (B, L), 0, NUM_EMB, dtype=jnp.int32)
    weight = jax.random.normal(k2, (NUM_EMB, EMB_DIM), dtype=jnp.float32) * 0.02
    # kaiming_uniform_ init for lora_A (a=sqrt(5)) -> uniform(-bound, bound), bound = sqrt(6/((1+a^2)*fan_in)), fan_in=NUM_EMB per torch convention for 2D param
    bound = np.sqrt(6.0 / ((1.0 + 5.0) * RANK))
    lora_A = jax.random.uniform(k3, (NUM_EMB, RANK), dtype=jnp.float32, minval=-bound, maxval=bound)
    # torch init zeros lora_B; use small random values so the LoRA path contributes numerically
    lora_B = jax.random.normal(k4, (RANK, EMB_DIM), dtype=jnp.float32) * 0.02
    return {"x": x, "weight": weight, "lora_A": lora_A, "lora_B": lora_B}

def reference(x, weight, lora_A, lora_B):
    base = jnp.take(weight, x, axis=0)                    # [B, L, EMB_DIM]
    lora_emb = jnp.take(lora_A, x, axis=0)                # [B, L, RANK]
    lora_out = (SCALING * lora_emb) @ lora_B              # [B, L, EMB_DIM]
    return base + lora_out

if __name__ == "__main__":
    import jax
    _d = setup_inputs()
    print(jax.jit(kernel)(*tuple(_d.values())))

</pallas_src>

<mosaic_0001>
#map = affine_map<(d0, d1) -> (0, 0, 0)>
#map1 = affine_map<(d0, d1) -> (0, 0)>
module attributes {stable_mosaic.version = 14 : i64} {
  func.func @gather_rows(%arg0: i32, %arg1: i32, %arg2: memref<32x200x128xi32, #tpu.memory_space<hbm>>, %arg3: memref<1000576x64xf32, #tpu.memory_space<hbm>>, %arg4: memref<819200x64xf32, #tpu.memory_space<hbm>>, %arg5: memref<200x128xi32, #tpu.memory_space<vmem>>, %arg6: memref<2x128x64xf32, #tpu.memory_space<vmem>>, %arg7: memref<!tpu.dma_semaphore, #tpu.memory_space<semaphore_mem>>, %arg8: memref<!tpu.dma_semaphore, #tpu.memory_space<semaphore_mem>>, %arg9: memref<!tpu.dma_semaphore, #tpu.memory_space<semaphore_mem>>, %arg10: memref<!tpu.dma_semaphore, #tpu.memory_space<semaphore_mem>>) attributes {dimension_semantics = [#tpu.dimension_semantics<core_parallel>, #tpu.dimension_semantics<subcore_parallel>], iteration_bounds = array<i64: 2, 16>, scalar_prefetch = 0 : i64, scratch_operands = 6 : i64, tpu.core_type = #tpu.core_type<sc_vector_subcore>, window_params = [{transform_indices = #map}, {transform_indices = #map1}, {transform_indices = #map1}]} {
    %mul3A = arith.constant 2 : i32
    %mul3A_0 = arith.muli %arg1, %mul3A : i32
    %add3A = arith.addi %mul3A_0, %arg0 : i32
    %mul3A_1 = arith.constant 25600 : i32
    %mul3A_2 = arith.muli %add3A, %mul3A_1 : i32
    "tpu.region"() ({
      %run_scoped3A = tpu.sem_alloc : memref<!tpu.dma_semaphore, #tpu.memory_space<semaphore_mem>>
      %dma_start3A_48 = arith.constant 0 : i32
      %dma_start3A_49 = arith.constant 0 : i32
      %dma_start3A_50 = tpu.memref_slice %arg2[%add3A, %dma_start3A_48, %dma_start3A_49] : memref<32x200x128xi32, #tpu.memory_space<hbm>> -> memref<1x200x128xi32, #tpu.memory_space<hbm>>
      %dma_start3A_51 = tpu.memref_squeeze %dma_start3A_50 : memref<1x200x128xi32, #tpu.memory_space<hbm>> -> memref<200x128xi32, #tpu.memory_space<hbm>>
      %dma_start3A_52 = arith.constant 0 : i32
      %dma_start3A_53 = arith.constant 0 : i32
      %dma_start3A_54 = tpu.memref_slice %arg2[%add3A, %dma_start3A_52, %dma_start3A_53] : memref<32x200x128xi32, #tpu.memory_space<hbm>> -> memref<1x200x128xi32, #tpu.memory_space<hbm>>
      %dma_start3A_55 = tpu.memref_squeeze %dma_start3A_54 : memref<1x200x128xi32, #tpu.memory_space<hbm>> -> memref<200x128xi32, #tpu.memory_space<hbm>>
      tpu.enqueue_dma source(%dma_start3A_55 : memref<200x128xi32, #tpu.memory_space<hbm>>) target(%arg5 : memref<200x128xi32, #tpu.memory_space<vmem>>) target_semaphore(%run_scoped3A : memref<!tpu.dma_semaphore, #tpu.memory_space<semaphore_mem>>)
      %dma_wait3A_56 = arith.constant 0 : i32
      %dma_wait3A_57 = arith.constant 0 : i32
      %dma_wait3A_58 = tpu.memref_slice %arg2[%add3A, %dma_wait3A_56, %dma_wait3A_57] : memref<32x200x128xi32, #tpu.memory_space<hbm>> -> memref<1x200x128xi32, #tpu.memory_space<hbm>>
      %dma_wait3A_59 = tpu.memref_squeeze %dma_wait3A_58 : memref<1x200x128xi32, #tpu.memory_space<hbm>> -> memref<200x128xi32, #tpu.memory_space<hbm>>
      %dma_wait3A_60 = arith.constant 0 : i32
      %dma_wait3A_61 = arith.constant 0 : i32
      %dma_wait3A_62 = tpu.memref_slice %arg2[%add3A, %dma_wait3A_60, %dma_wait3A_61] : memref<32x200x128xi32, #tpu.memory_space<hbm>> -> memref<1x200x128xi32, #tpu.memory_space<hbm>>
      %dma_wait3A_63 = tpu.memref_squeeze %dma_wait3A_62 : memref<1x200x128xi32, #tpu.memory_space<hbm>> -> memref<200x128xi32, #tpu.memory_space<hbm>>
      tpu.wait_dma2 semaphore(%run_scoped3A : memref<!tpu.dma_semaphore, #tpu.memory_space<semaphore_mem>>) src(%dma_wait3A_63 : memref<200x128xi32, #tpu.memory_space<hbm>>) dst(%arg5 : memref<200x128xi32, #tpu.memory_space<vmem>>)
      tpu.yield
    }) : () -> ()
    %dma_start3A = arith.constant 0 : i32
    %dma_start3A_3 = arith.constant 0 : i32
    %dma_start3A_4 = arith.constant 0 : i32
    %dma_start3A_5 = arith.constant 0 : i32
    %dma_start3A_6 = tpu.memref_slice %arg6[%dma_start3A_3, %dma_start3A_4, %dma_start3A_5] : memref<2x128x64xf32, #tpu.memory_space<vmem>> -> memref<1x128x64xf32, #tpu.memory_space<vmem>>
    %dma_start3A_7 = tpu.memref_squeeze %dma_start3A_6 : memref<1x128x64xf32, #tpu.memory_space<vmem>> -> memref<128x64xf32, #tpu.memory_space<vmem>>
    %dma_start3A_8 = arith.constant 0 : i32
    %dma_start3A_9 = tpu.memref_slice %arg5[%dma_start3A, %dma_start3A_8] : memref<200x128xi32, #tpu.memory_space<vmem>> -> memref<1x128xi32, #tpu.memory_space<vmem>>
    %dma_start3A_10 = tpu.memref_squeeze %dma_start3A_9 : memref<1x128xi32, #tpu.memory_space<vmem>> -> memref<128xi32, #tpu.memory_space<vmem>>
    %dma_start3A_11 = arith.constant 0 : i32
    %dma_start3A_12 = arith.constant 0 : i32
    %dma_start3A_13 = tpu.memref_slice %arg3[%dma_start3A_11, %dma_start3A_12] : memref<1000576x64xf32, #tpu.memory_space<hbm>> -> memref<1000576x64xf32, #tpu.memory_space<hbm>>
    tpu.enqueue_indirect_dma source(%dma_start3A_13 : memref<1000576x64xf32, #tpu.memory_space<hbm>>) target(%dma_start3A_7 : memref<128x64xf32, #tpu.memory_space<vmem>>) offsets(%dma_start3A_10 : memref<128xi32, #tpu.memory_space<vmem>>) semaphore(%arg7 : memref<!tpu.dma_semaphore, #tpu.memory_space<semaphore_mem>>)
    %scan3A = arith.constant 0 : i32
    %scan3A_14 = arith.constant 0 : i32
    %scan3A_15 = arith.constant 100 : i32
    %scan3A_16 = arith.addi %scan3A_14, %scan3A_15 : i32
    %scan3A_17 = arith.constant 1 : i32
    scf.for %scan3A_48 = %scan3A_14 to %scan3A_16 step %scan3A_17  : i32 {
      %mul3A_49 = arith.constant 2 : i32
      %mul3A_50 = arith.muli %mul3A_49, %scan3A_48 : i32
      %add3A_51 = arith.constant 0 : i32
      %add3A_52 = arith.addi %mul3A_50, %add3A_51 : i32
      %add3A_53 = arith.constant 1 : i32
      %add3A_54 = arith.addi %add3A_52, %add3A_53 : i32
      %lt3A = arith.constant 200 : i32
      %lt3A_55 = arith.cmpi slt, %add3A_54, %lt3A : i32
      %convert_element_type3A = arith.extui %lt3A_55 : i1 to i32
      %cond3A = arith.constant 0 : i32
      %cond3A_56 = arith.cmpi ne, %convert_element_type3A, %cond3A : i32
      scf.if %cond3A_56 {
        %ge3A = arith.constant 1 : i32
        %ge3A_130 = arith.cmpi sge, %add3A_52, %ge3A : i32
        %convert_element_type3A_131 = arith.extui %ge3A_130 : i1 to i32
        %cond3A_132 = arith.constant 0 : i32
        %cond3A_133 = arith.cmpi ne, %convert_element_type3A_131, %cond3A_132 : i32
        scf.if %cond3A_133 {
          %dma_wait3A_145 = arith.constant 1 : i32
          %dma_wait3A_146 = arith.constant 0 : i32
          %dma_wait3A_147 = arith.constant 0 : i32
          %dma_wait3A_148 = tpu.memref_slice %arg6[%dma_wait3A_145, %dma_wait3A_146, %dma_wait3A_147] : memref<2x128x64xf32, #tpu.memory_space<vmem>> -> memref<1x128x64xf32, #tpu.memory_space<vmem>>
          %dma_wait3A_149 = tpu.memref_squeeze %dma_wait3A_148 : memref<1x128x64xf32, #tpu.memory_space<vmem>> -> memref<128x64xf32, #tpu.memory_space<vmem>>
          %dma_wait3A_150 = arith.constant 0 : i32
          %dma_wait3A_151 = arith.constant 0 : i32
          %dma_wait3A_152 = tpu.memref_slice %arg4[%dma_wait3A_150, %dma_wait3A_151] : memref<819200x64xf32, #tpu.memory_space<hbm>> -> memref<128x64xf32, #tpu.memory_space<hbm>>
          %dma_wait3A_153 = arith.constant 0 : i32
          %dma_wait3A_154 = arith.constant 0 : i32
          %dma_wait3A_155 = tpu.memref_slice %arg4[%dma_wait3A_153, %dma_wait3A_154] : memref<819200x64xf32, #tpu.memory_space<hbm>> -> memref<128x64xf32, #tpu.memory_space<hbm>>
          %dma_wait3A_156 = arith.constant 0 : i32
          %dma_wait3A_157 = arith.constant 0 : i32
          %dma_wait3A_158 = tpu.memref_slice %arg6[%dma_wait3A_145, %dma_wait3A_156, %dma_wait3A_157] : memref<2x128x64xf32, #tpu.memory_space<vmem>> -> memref<1x128x64xf32, #tpu.memory_space<vmem>>
          %dma_wait3A_159 = tpu.memref_squeeze %dma_wait3A_158 : memref<1x128x64xf32, #tpu.memory_space<vmem>> -> memref<128x64xf32, #tpu.memory_space<vmem>>
          tpu.wait_dma2 semaphore(%arg10 : memref<!tpu.dma_semaphore, #tpu.memory_space<semaphore_mem>>) src(%dma_wait3A_159 : memref<128x64xf32, #tpu.memory_space<vmem>>) dst(%dma_wait3A_155 : memref<128x64xf32, #tpu.memory_space<hbm>>)
        } else {
        }
        %dma_start3A_134 = arith.constant 1 : i32
        %dma_start3A_135 = arith.constant 0 : i32
        %dma_start3A_136 = arith.constant 0 : i32
        %dma_start3A_137 = tpu.memref_slice %arg6[%dma_start3A_134, %dma_start3A_135, %dma_start3A_136] : memref<2x128x64xf32, #tpu.memory_space<vmem>> -> memref<1x128x64xf32, #tpu.memory_space<vmem>>
        %dma_start3A_138 = tpu.memref_squeeze %dma_start3A_137 : memref<1x128x64xf32, #tpu.memory_space<vmem>> -> memref<128x64xf32, #tpu.memory_space<vmem>>
        %dma_start3A_139 = arith.constant 0 : i32
        %dma_start3A_140 = tpu.memref_slice %arg5[%add3A_54, %dma_start3A_139] : memref<200x128xi32, #tpu.memory_space<vmem>> -> memref<1x128xi32, #tpu.memory_space<vmem>>
        %dma_start3A_141 = tpu.memref_squeeze %dma_start3A_140 : memref<1x128xi32, #tpu.memory_space<vmem>> -> memref<128xi32, #tpu.memory_space<vmem>>
        %dma_start3A_142 = arith.constant 0 : i32
        %dma_start3A_143 = arith.constant 0 : i32
        %dma_start3A_144 = tpu.memref_slice %arg3[%dma_start3A_142, %dma_start3A_143] : memref<1000576x64xf32, #tpu.memory_space<hbm>> -> memref<1000576x64xf32, #tpu.memory_space<hbm>>
        tpu.enqueue_indirect_dma source(%dma_start3A_144 : memref<1000576x64xf32, #tpu.memory_space<hbm>>) target(%dma_start3A_138 : memref<128x64xf32, #tpu.memory_space<vmem>>) offsets(%dma_start3A_141 : memref<128xi32, #tpu.memory_space<vmem>>) semaphore(%arg8 : memref<!tpu.dma_semaphore, #tpu.memory_space<semaphore_mem>>)
      } else {
      }
      %dma_wait3A_57 = arith.constant 0 : i32
      %dma_wait3A_58 = arith.constant 0 : i32
      %dma_wait3A_59 = arith.constant 0 : i32
      %dma_wait3A_60 = tpu.memref_slice %arg6[%dma_wait3A_57, %dma_wait3A_58, %dma_wait3A_59] : memref<2x128x64xf32, #tpu.memory_space<vmem>> -> memref<1x128x64xf32, #tpu.memory_space<vmem>>
      %dma_wait3A_61 = tpu.memref_squeeze %dma_wait3A_60 : memref<1x128x64xf32, #tpu.memory_space<vmem>> -> memref<128x64xf32, #tpu.memory_space<vmem>>
      %dma_wait3A_62 = arith.constant 0 : i32
      %dma_wait3A_63 = arith.constant 0 : i32
      %dma_wait3A_64 = tpu.memref_slice %arg3[%dma_wait3A_62, %dma_wait3A_63] : memref<1000576x64xf32, #tpu.memory_space<hbm>> -> memref<128x64xf32, #tpu.memory_space<hbm>>
      %dma_wait3A_65 = arith.constant 0 : i32
      %dma_wait3A_66 = arith.constant 0 : i32
      %dma_wait3A_67 = tpu.memref_slice %arg6[%dma_wait3A_57, %dma_wait3A_65, %dma_wait3A_66] : memref<2x128x64xf32, #tpu.memory_space<vmem>> -> memref<1x128x64xf32, #tpu.memory_space<vmem>>
      %dma_wait3A_68 = tpu.memref_squeeze %dma_wait3A_67 : memref<1x128x64xf32, #tpu.memory_space<vmem>> -> memref<128x64xf32, #tpu.memory_space<vmem>>
      %dma_wait3A_69 = arith.constant 0 : i32
      %dma_wait3A_70 = arith.constant 0 : i32
      %dma_wait3A_71 = tpu.memref_slice %arg3[%dma_wait3A_69, %dma_wait3A_70] : memref<1000576x64xf32, #tpu.memory_space<hbm>> -> memref<128x64xf32, #tpu.memory_space<hbm>>
      tpu.wait_dma2 semaphore(%arg7 : memref<!tpu.dma_semaphore, #tpu.memory_space<semaphore_mem>>) src(%dma_wait3A_71 : memref<128x64xf32, #tpu.memory_space<hbm>>) dst(%dma_wait3A_68 : memref<128x64xf32, #tpu.memory_space<vmem>>)
      %mul3A_72 = arith.constant 128 : i32
      %mul3A_73 = arith.muli %add3A_52, %mul3A_72 : i32
      %add3A_74 = arith.addi %mul3A_2, %mul3A_73 : i32
      %dma_start3A_75 = arith.constant 0 : i32
      %dma_start3A_76 = arith.constant 0 : i32
      %dma_start3A_77 = arith.constant 0 : i32
      %dma_start3A_78 = tpu.memref_slice %arg6[%dma_start3A_75, %dma_start3A_76, %dma_start3A_77] : memref<2x128x64xf32, #tpu.memory_space<vmem>> -> memref<1x128x64xf32, #tpu.memory_space<vmem>>
      %dma_start3A_79 = tpu.memref_squeeze %dma_start3A_78 : memref<1x128x64xf32, #tpu.memory_space<vmem>> -> memref<128x64xf32, #tpu.memory_space<vmem>>
      %dma_start3A_80 = arith.constant 0 : i32
      %dma_start3A_81 = tpu.memref_slice %arg4[%add3A_74, %dma_start3A_80] : memref<819200x64xf32, #tpu.memory_space<hbm>> -> memref<128x64xf32, #tpu.memory_space<hbm>>
      %dma_start3A_82 = arith.constant 0 : i32
      %dma_start3A_83 = tpu.memref_slice %arg4[%add3A_74, %dma_start3A_82] : memref<819200x64xf32, #tpu.memory_space<hbm>> -> memref<128x64xf32, #tpu.memory_space<hbm>>
      %dma_start3A_84 = arith.constant 0 : i32
      %dma_start3A_85 = arith.constant 0 : i32
      %dma_start3A_86 = tpu.memref_slice %arg6[%dma_start3A_75, %dma_start3A_84, %dma_start3A_85] : memref<2x128x64xf32, #tpu.memory_space<vmem>> -> memref<1x128x64xf32, #tpu.memory_space<vmem>>
      %dma_start3A_87 = tpu.memref_squeeze %dma_start3A_86 : memref<1x128x64xf32, #tpu.memory_space<vmem>> -> memref<128x64xf32, #tpu.memory_space<vmem>>
      tpu.enqueue_dma source(%dma_start3A_87 : memref<128x64xf32, #tpu.memory_space<vmem>>) target(%dma_start3A_83 : memref<128x64xf32, #tpu.memory_space<hbm>>) target_semaphore(%arg9 : memref<!tpu.dma_semaphore, #tpu.memory_space<semaphore_mem>>)
      %mul3A_88 = arith.constant 2 : i32
      %mul3A_89 = arith.muli %mul3A_88, %scan3A_48 : i32
      %add3A_90 = arith.constant 1 : i32
      %add3A_91 = arith.addi %mul3A_89, %add3A_90 : i32
      %add3A_92 = arith.constant 1 : i32
      %add3A_93 = arith.addi %add3A_91, %add3A_92 : i32
      %lt3A_94 = arith.constant 200 : i32
      %lt3A_95 = arith.cmpi slt, %add3A_93, %lt3A_94 : i32
      %convert_element_type3A_96 = arith.extui %lt3A_95 : i1 to i32
      %cond3A_97 = arith.constant 0 : i32
      %cond3A_98 = arith.cmpi ne, %convert_element_type3A_96, %cond3A_97 : i32
      scf.if %cond3A_98 {
        %dma_wait3A_130 = arith.constant 0 : i32
        %dma_wait3A_131 = arith.constant 0 : i32
        %dma_wait3A_132 = arith.constant 0 : i32
        %dma_wait3A_133 = tpu.memref_slice %arg6[%dma_wait3A_130, %dma_wait3A_131, %dma_wait3A_132] : memref<2x128x64xf32, #tpu.memory_space<vmem>> -> memref<1x128x64xf32, #tpu.memory_space<vmem>>
        %dma_wait3A_134 = tpu.memref_squeeze %dma_wait3A_133 : memref<1x128x64xf32, #tpu.memory_space<vmem>> -> memref<128x64xf32, #tpu.memory_space<vmem>>
        %dma_wait3A_135 = arith.constant 0 : i32
        %dma_wait3A_136 = arith.constant 0 : i32
        %dma_wait3A_137 = tpu.memref_slice %arg4[%dma_wait3A_135, %dma_wait3A_136] : memref<819200x64xf32, #tpu.memory_space<hbm>> -> memref<128x64xf32, #tpu.memory_space<hbm>>
        %dma_wait3A_138 = arith.constant 0 : i32
        %dma_wait3A_139 = arith.constant 0 : i32
        %dma_wait3A_140 = tpu.memref_slice %arg4[%dma_wait3A_138, %dma_wait3A_139] : memref<819200x64xf32, #tpu.memory_space<hbm>> -> memref<128x64xf32, #tpu.memory_space<hbm>>
        %dma_wait3A_141 = arith.constant 0 : i32
        %dma_wait3A_142 = arith.constant 0 : i32
        %dma_wait3A_143 = tpu.memref_slice %arg6[%dma_wait3A_130, %dma_wait3A_141, %dma_wait3A_142] : memref<2x128x64xf32, #tpu.memory_space<vmem>> -> memref<1x128x64xf32, #tpu.memory_space<vmem>>
        %dma_wait3A_144 = tpu.memref_squeeze %dma_wait3A_143 : memref<1x128x64xf32, #tpu.memory_space<vmem>> -> memref<128x64xf32, #tpu.memory_space<vmem>>
        tpu.wait_dma2 semaphore(%arg9 : memref<!tpu.dma_semaphore, #tpu.memory_space<semaphore_mem>>) src(%dma_wait3A_144 : memref<128x64xf32, #tpu.memory_space<vmem>>) dst(%dma_wait3A_140 : memref<128x64xf32, #tpu.memory_space<hbm>>)
        %dma_start3A_145 = arith.constant 0 : i32
        %dma_start3A_146 = arith.constant 0 : i32
        %dma_start3A_147 = arith.constant 0 : i32
        %dma_start3A_148 = tpu.memref_slice %arg6[%dma_start3A_145, %dma_start3A_146, %dma_start3A_147] : memref<2x128x64xf32, #tpu.memory_space<vmem>> -> memref<1x128x64xf32, #tpu.memory_space<vmem>>
        %dma_start3A_149 = tpu.memref_squeeze %dma_start3A_148 : memref<1x128x64xf32, #tpu.memory_space<vmem>> -> memref<128x64xf32, #tpu.memory_space<vmem>>
        %dma_start3A_150 = arith.constant 0 : i32
        %dma_start3A_151 = tpu.memref_slice %arg5[%add3A_93, %dma_start3A_150] : memref<200x128xi32, #tpu.memory_space<vmem>> -> memref<1x128xi32, #tpu.memory_space<vmem>>
        %dma_start3A_152 = tpu.memref_squeeze %dma_start3A_151 : memref<1x128xi32, #tpu.memory_space<vmem>> -> memref<128xi32, #tpu.memory_space<vmem>>
        %dma_start3A_153 = arith.constant 0 : i32
        %dma_start3A_154 = arith.constant 0 : i32
        %dma_start3A_155 = tpu.memref_slice %arg3[%dma_start3A_153, %dma_start3A_154] : memref<1000576x64xf32, #tpu.memory_space<hbm>> -> memref<1000576x64xf32, #tpu.memory_space<hbm>>
        tpu.enqueue_indirect_dma source(%dma_start3A_155 : memref<1000576x64xf32, #tpu.memory_space<hbm>>) target(%dma_start3A_149 : memref<128x64xf32, #tpu.memory_space<vmem>>) offsets(%dma_start3A_152 : memref<128xi32, #tpu.memory_space<vmem>>) semaphore(%arg7 : memref<!tpu.dma_semaphore, #tpu.memory_space<semaphore_mem>>)
      } else {
      }
      %dma_wait3A_99 = arith.constant 1 : i32
      %dma_wait3A_100 = arith.constant 0 : i32
      %dma_wait3A_101 = arith.constant 0 : i32
      %dma_wait3A_102 = tpu.memref_slice %arg6[%dma_wait3A_99, %dma_wait3A_100, %dma_wait3A_101] : memref<2x128x64xf32, #tpu.memory_space<vmem>> -> memref<1x128x64xf32, #tpu.memory_space<vmem>>
      %dma_wait3A_103 = tpu.memref_squeeze %dma_wait3A_102 : memref<1x128x64xf32, #tpu.memory_space<vmem>> -> memref<128x64xf32, #tpu.memory_space<vmem>>
      %dma_wait3A_104 = arith.constant 0 : i32
      %dma_wait3A_105 = arith.constant 0 : i32
      %dma_wait3A_106 = tpu.memref_slice %arg3[%dma_wait3A_104, %dma_wait3A_105] : memref<1000576x64xf32, #tpu.memory_space<hbm>> -> memref<128x64xf32, #tpu.memory_space<hbm>>
      %dma_wait3A_107 = arith.constant 0 : i32
      %dma_wait3A_108 = arith.constant 0 : i32
      %dma_wait3A_109 = tpu.memref_slice %arg6[%dma_wait3A_99, %dma_wait3A_107, %dma_wait3A_108] : memref<2x128x64xf32, #tpu.memory_space<vmem>> -> memref<1x128x64xf32, #tpu.memory_space<vmem>>
      %dma_wait3A_110 = tpu.memref_squeeze %dma_wait3A_109 : memref<1x128x64xf32, #tpu.memory_space<vmem>> -> memref<128x64xf32, #tpu.memory_space<vmem>>
      %dma_wait3A_111 = arith.constant 0 : i32
      %dma_wait3A_112 = arith.constant 0 : i32
      %dma_wait3A_113 = tpu.memref_slice %arg3[%dma_wait3A_111, %dma_wait3A_112] : memref<1000576x64xf32, #tpu.memory_space<hbm>> -> memref<128x64xf32, #tpu.memory_space<hbm>>
      tpu.wait_dma2 semaphore(%arg8 : memref<!tpu.dma_semaphore, #tpu.memory_space<semaphore_mem>>) src(%dma_wait3A_113 : memref<128x64xf32, #tpu.memory_space<hbm>>) dst(%dma_wait3A_110 : memref<128x64xf32, #tpu.memory_space<vmem>>)
      %mul3A_114 = arith.constant 128 : i32
      %mul3A_115 = arith.muli %add3A_91, %mul3A_114 : i32
      %add3A_116 = arith.addi %mul3A_2, %mul3A_115 : i32
      %dma_start3A_117 = arith.constant 1 : i32
      %dma_start3A_118 = arith.constant 0 : i32
      %dma_start3A_119 = arith.constant 0 : i32
      %dma_start3A_120 = tpu.memref_slice %arg6[%dma_start3A_117, %dma_start3A_118, %dma_start3A_119] : memref<2x128x64xf32, #tpu.memory_space<vmem>> -> memref<1x128x64xf32, #tpu.memory_space<vmem>>
      %dma_start3A_121 = tpu.memref_squeeze %dma_start3A_120 : memref<1x128x64xf32, #tpu.memory_space<vmem>> -> memref<128x64xf32, #tpu.memory_space<vmem>>
      %dma_start3A_122 = arith.constant 0 : i32
      %dma_start3A_123 = tpu.memref_slice %arg4[%add3A_116, %dma_start3A_122] : memref<819200x64xf32, #tpu.memory_space<hbm>> -> memref<128x64xf32, #tpu.memory_space<hbm>>
      %dma_start3A_124 = arith.constant 0 : i32
      %dma_start3A_125 = tpu.memref_slice %arg4[%add3A_116, %dma_start3A_124] : memref<819200x64xf32, #tpu.memory_space<hbm>> -> memref<128x64xf32, #tpu.memory_space<hbm>>
      %dma_start3A_126 = arith.constant 0 : i32
      %dma_start3A_127 = arith.constant 0 : i32
      %dma_start3A_128 = tpu.memref_slice %arg6[%dma_start3A_117, %dma_start3A_126, %dma_start3A_127] : memref<2x128x64xf32, #tpu.memory_space<vmem>> -> memref<1x128x64xf32, #tpu.memory_space<vmem>>
      %dma_start3A_129 = tpu.memref_squeeze %dma_start3A_128 : memref<1x128x64xf32, #tpu.memory_space<vmem>> -> memref<128x64xf32, #tpu.memory_space<vmem>>
      tpu.enqueue_dma source(%dma_start3A_129 : memref<128x64xf32, #tpu.memory_space<vmem>>) target(%dma_start3A_125 : memref<128x64xf32, #tpu.memory_space<hbm>>) target_semaphore(%arg10 : memref<!tpu.dma_semaphore, #tpu.memory_space<semaphore_mem>>)
    }
    %scan3A_18 = arith.constant 100 : i32
    %dma_wait3A = arith.constant 0 : i32
    %dma_wait3A_19 = arith.constant 0 : i32
    %dma_wait3A_20 = arith.constant 0 : i32
    %dma_wait3A_21 = tpu.memref_slice %arg6[%dma_wait3A, %dma_wait3A_19, %dma_wait3A_20] : memref<2x128x64xf32, #tpu.memory_space<vmem>> -> memref<1x128x64xf32, #tpu.memory_space<vmem>>
    %dma_wait3A_22 = tpu.memref_squeeze %dma_wait3A_21 : memref<1x128x64xf32, #tpu.memory_space<vmem>> -> memref<128x64xf32, #tpu.memory_space<vmem>>
    %dma_wait3A_23 = arith.constant 0 : i32
    %dma_wait3A_24 = arith.constant 0 : i32
    %dma_wait3A_25 = tpu.memref_slice %arg4[%dma_wait3A_23, %dma_wait3A_24] : memref<819200x64xf32, #tpu.memory_space<hbm>> -> memref<128x64xf32, #tpu.memory_space<hbm>>
    %dma_wait3A_26 = arith.constant 0 : i32
    %dma_wait3A_27 = arith.constant 0 : i32
    %dma_wait3A_28 = tpu.memref_slice %arg4[%dma_wait3A_26, %dma_wait3A_27] : memref<819200x64xf32, #tpu.memory_space<hbm>> -> memref<128x64xf32, #tpu.memory_space<hbm>>
    %dma_wait3A_29 = arith.constant 0 : i32
    %dma_wait3A_30 = arith.constant 0 : i32
    %dma_wait3A_31 = tpu.memref_slice %arg6[%dma_wait3A, %dma_wait3A_29, %dma_wait3A_30] : memref<2x128x64xf32, #tpu.memory_space<vmem>> -> memref<1x128x64xf32, #tpu.memory_space<vmem>>
    %dma_wait3A_32 = tpu.memref_squeeze %dma_wait3A_31 : memref<1x128x64xf32, #tpu.memory_space<vmem>> -> memref<128x64xf32, #tpu.memory_space<vmem>>
    tpu.wait_dma2 semaphore(%arg9 : memref<!tpu.dma_semaphore, #tpu.memory_space<semaphore_mem>>) src(%dma_wait3A_32 : memref<128x64xf32, #tpu.memory_space<vmem>>) dst(%dma_wait3A_28 : memref<128x64xf32, #tpu.memory_space<hbm>>)
    %dma_wait3A_33 = arith.constant 1 : i32
    %dma_wait3A_34 = arith.constant 0 : i32
    %dma_wait3A_35 = arith.constant 0 : i32
    %dma_wait3A_36 = tpu.memref_slice %arg6[%dma_wait3A_33, %dma_wait3A_34, %dma_wait3A_35] : memref<2x128x64xf32, #tpu.memory_space<vmem>> -> memref<1x128x64xf32, #tpu.memory_space<vmem>>
    %dma_wait3A_37 = tpu.memref_squeeze %dma_wait3A_36 : memref<1x128x64xf32, #tpu.memory_space<vmem>> -> memref<128x64xf32, #tpu.memory_space<vmem>>
    %dma_wait3A_38 = arith.constant 0 : i32
    %dma_wait3A_39 = arith.constant 0 : i32
    %dma_wait3A_40 = tpu.memref_slice %arg4[%dma_wait3A_38, %dma_wait3A_39] : memref<819200x64xf32, #tpu.memory_space<hbm>> -> memref<128x64xf32, #tpu.memory_space<hbm>>
    %dma_wait3A_41 = arith.constant 0 : i32
    %dma_wait3A_42 = arith.constant 0 : i32
    %dma_wait3A_43 = tpu.memref_slice %arg4[%dma_wait3A_41, %dma_wait3A_42] : memref<819200x64xf32, #tpu.memory_space<hbm>> -> memref<128x64xf32, #tpu.memory_space<hbm>>
    %dma_wait3A_44 = arith.constant 0 : i32
    %dma_wait3A_45 = arith.constant 0 : i32
    %dma_wait3A_46 = tpu.memref_slice %arg6[%dma_wait3A_33, %dma_wait3A_44, %dma_wait3A_45] : memref<2x128x64xf32, #tpu.memory_space<vmem>> -> memref<1x128x64xf32, #tpu.memory_space<vmem>>
    %dma_wait3A_47 = tpu.memref_squeeze %dma_wait3A_46 : memref<1x128x64xf32, #tpu.memory_space<vmem>> -> memref<128x64xf32, #tpu.memory_space<vmem>>
    tpu.wait_dma2 semaphore(%arg10 : memref<!tpu.dma_semaphore, #tpu.memory_space<semaphore_mem>>) src(%dma_wait3A_47 : memref<128x64xf32, #tpu.memory_space<vmem>>) dst(%dma_wait3A_43 : memref<128x64xf32, #tpu.memory_space<hbm>>)
    return
  }
}

module attributes {stable_mosaic.version = 14 : i64} {
  func.func @_fuse_block(%arg0: i32, %arg1: memref<64x8192xf32, #tpu.memory_space<vmem>>, %arg2: memref<64x8192xf32, #tpu.memory_space<vmem>>, %arg3: memref<16x8192xf32, #tpu.memory_space<vmem>>, %arg4: memref<16x8192xf32, #tpu.memory_space<vmem>>, %arg5: memref<64x16xf32, #tpu.memory_space<vmem>>, %arg6: memref<8192x128xf32, #tpu.memory_space<vmem>>) attributes {dimension_semantics = [#tpu.dimension_semantics<arbitrary>], iteration_bounds = array<i64: 62>, scalar_prefetch = 0 : i64, scratch_operands = 0 : i64, tpu.core_type = #tpu.core_type<tc>, window_params = [{transform_indices = @transform_0, window_bounds = array<i64: 64, 8192>}, {transform_indices = @transform_1, window_bounds = array<i64: 64, 8192>}, {transform_indices = @transform_2, window_bounds = array<i64: 16, 8192>}, {transform_indices = @transform_3, window_bounds = array<i64: 16, 8192>}, {pipeline_mode = #tpu.pipeline_mode<synchronous>, transform_indices = @transform_4, window_bounds = array<i64: 64, 16>}, {transform_indices = @transform_5, window_bounds = array<i64: 8192, 128>}]} {
    %get3A = arith.constant 0 : index
    %get3A_0 = arith.constant 0 : index
    %get3A_1 = vector.load %arg1[%get3A, %get3A_0] : memref<64x8192xf32, #tpu.memory_space<vmem>>, vector<64x8192xf32>
    %get3A_2 = arith.constant 0 : index
    %get3A_3 = arith.constant 0 : index
    %get3A_4 = vector.load %arg5[%get3A_2, %get3A_3] : memref<64x16xf32, #tpu.memory_space<vmem>>, vector<64x16xf32>
    %get3A_5 = arith.constant 0 : index
    %get3A_6 = arith.constant 0 : index
    %get3A_7 = vector.load %arg3[%get3A_5, %get3A_6] : memref<16x8192xf32, #tpu.memory_space<vmem>>, vector<16x8192xf32>
    %dot_general3A = arith.constant dense<0.000000e+00> : vector<64x8192xf32>
    %dot_general3A_8 = tpu.matmul %get3A_4, %get3A_7, %dot_general3A {dimension_numbers = #tpu.dot_dimension_numbers<[1], [0], [0], [1], [0, 0, 1, 1], [], []>, transpose_lhs_hint = false} : vector<64x16xf32>, vector<16x8192xf32>, vector<64x8192xf32> -> vector<64x8192xf32>
    %mul3A = arith.constant 2.000000e+00 : f32
    %mul3A_9 = vector.broadcast %mul3A : f32 to vector<64x8192xf32>
    %mul3A_10 = arith.mulf %mul3A_9, %dot_general3A_8 : vector<64x8192xf32>
    %add3A = arith.addf %get3A_1, %mul3A_10 : vector<64x8192xf32>
    %get3A_11 = arith.constant 0 : index
    %get3A_12 = arith.constant 0 : index
    %get3A_13 = vector.load %arg2[%get3A_11, %get3A_12] : memref<64x8192xf32, #tpu.memory_space<vmem>>, vector<64x8192xf32>
    %get3A_14 = arith.constant 0 : index
    %get3A_15 = arith.constant 0 : index
    %get3A_16 = vector.load %arg5[%get3A_14, %get3A_15] : memref<64x16xf32, #tpu.memory_space<vmem>>, vector<64x16xf32>
    %get3A_17 = arith.constant 0 : index
    %get3A_18 = arith.constant 0 : index
    %get3A_19 = vector.load %arg4[%get3A_17, %get3A_18] : memref<16x8192xf32, #tpu.memory_space<vmem>>, vector<16x8192xf32>
    %dot_general3A_20 = arith.constant dense<0.000000e+00> : vector<64x8192xf32>
    %dot_general3A_21 = tpu.matmul %get3A_16, %get3A_19, %dot_general3A_20 {dimension_numbers = #tpu.dot_dimension_numbers<[1], [0], [0], [1], [0, 0, 1, 1], [], []>, transpose_lhs_hint = false} : vector<64x16xf32>, vector<16x8192xf32>, vector<64x8192xf32> -> vector<64x8192xf32>
    %mul3A_22 = arith.constant 2.000000e+00 : f32
    %mul3A_23 = vector.broadcast %mul3A_22 : f32 to vector<64x8192xf32>
    %mul3A_24 = arith.mulf %mul3A_23, %dot_general3A_21 : vector<64x8192xf32>
    %add3A_25 = arith.addf %get3A_13, %mul3A_24 : vector<64x8192xf32>
    %transpose3A = tpu.transpose %add3A, [1, 0] : vector<64x8192xf32> -> vector<8192x64xf32>
    %transpose3A_26 = tpu.transpose %add3A_25, [1, 0] : vector<64x8192xf32> -> vector<8192x64xf32>
    %concatenate3A = tpu.concatenate %transpose3A, %transpose3A_26 in 1 : vector<8192x64xf32>, vector<8192x64xf32> -> vector<8192x128xf32>
    %swap3A = arith.constant 0 : index
    %swap3A_27 = arith.constant 0 : index
    %swap3A_28 = vector.load %arg6[%swap3A, %swap3A_27] : memref<8192x128xf32, #tpu.memory_space<vmem>>, vector<8192x128xf32>
    tpu.vector_store %arg6[%swap3A, %swap3A_27], %concatenate3A {strides = array<i32>} : memref<8192x128xf32, #tpu.memory_space<vmem>>, vector<8192x128xf32>,
    return
  }
  func.func @transform_0(%arg0: i32) -> (i32, i32) {
    %c0_i32 = arith.constant 0 : i32
    %c0_i32_0 = arith.constant 0 : i32
    return %c0_i32, %arg0 : i32, i32
  }
  func.func @transform_1(%arg0: i32) -> (i32, i32) {
    %add3A = arith.constant 61 : i32
    %add3A_0 = arith.addi %arg0, %add3A : i32
    %c0_i32 = arith.constant 0 : i32
    %c0_i32_1 = arith.constant 0 : i32
    return %c0_i32, %add3A_0 : i32, i32
  }
  func.func @transform_2(%arg0: i32) -> (i32, i32) {
    %c0_i32 = arith.constant 0 : i32
    %c0_i32_0 = arith.constant 0 : i32
    return %c0_i32, %arg0 : i32, i32
  }
  func.func @transform_3(%arg0: i32) -> (i32, i32) {
    %add3A = arith.constant 61 : i32
    %add3A_0 = arith.addi %arg0, %add3A : i32
    %c0_i32 = arith.constant 0 : i32
    %c0_i32_1 = arith.constant 0 : i32
    return %c0_i32, %add3A_0 : i32, i32
  }
  func.func @transform_4(%arg0: i32) -> (i32, i32) {
    %c0_i32 = arith.constant 0 : i32
    %c0_i32_0 = arith.constant 0 : i32
    %c0_i32_1 = arith.constant 0 : i32
    return %c0_i32, %c0_i32_0 : i32, i32
  }
  func.func @transform_5(%arg0: i32) -> (i32, i32) {
    %c0_i32 = arith.constant 0 : i32
    %c0_i32_0 = arith.constant 0 : i32
    return %arg0, %c0_i32 : i32, i32
  }
}

</mosaic_0001>

<sc_bundles>
// kernel: kernel.4.cloned.1.call-start
scs
__scs_entry_jumppad:
0x0: {  	(pc) =	sbr.rel $0x88, $3  }
0x1: {  	(tag) =	ssettag $0x0;
	lr =	simm.s32 $0x1  }
0x2: {  	[smem:$0x3F9D] =	sst lr;
	_ =	strace $0xD0000000  }
0x3: {  	_ = 	snop  }
0x4: {  	_ = 	snop  }
0x5: {  	_ = 	snop  }
0x6: {  	_ = 	snop  }
0x7: {  	_ = 	snop  }
__scs_overlays_trampoline_lowered:
0x8: {  	[smem:$0x3FAC] =	sst s0  }
0x9: {  	[smem:$0x3FAD] =	sst s1  }
0xa: {  	[smem:$0x3FAE] =	sst s2  }
0xb: {  	[smem:$0x3FAF] =	sst s3  }
0xc: {  	[smem:$0x3FB0] =	sst s4  }
0xd: {  	[smem:$0x3FB1] =	sst s5  }
0xe: {  	[smem:$0x3FB2] =	sst s6  }
0xf: {  	[smem:$0x3FB3] =	sst s7  }
0x10: {  	[smem:$0x3FB4] =	sst s8  }
0x11: {  	[smem:$0x3FB5] =	sst s9;
	s0 =	simm.s32 @!p0 $0x0  }
0x12: {  	s1 =	sld [smem:$0x3F9B];
	s0 =	simm.s32 @p0 $0x1  }
0x13: {  	[smem:$0x3FB6] =	sst s0;
	s0 =	simm.s32 @!p1 $0x0  }
0x14: {  	s2 =	sld [smem:$0x3F9A];
	s0 =	simm.s32 @p1 $0x1  }
0x15: {  	[smem:$0x3FB7] =	sst s0;
	s0 =	simm.s32 @!p2 $0x0  }
0x16: {  	s3 =	sld [smem:$0x3FDB];
	s0 =	simm.s32 @p2 $0x1  }
0x17: {  	s4 =	simm.s32 $0x1BF5;
	[smem:$0x3FB9] =	sst s0  }
0x18: {  	s0 =	sld [smem:$0x3F9C];
	_ =	swait.ge [sflag:s4], $0x0  }
0x19: {  	s7 =	sld [smem:$0x3F9D]  }
0x1a: {  	s8 =	sadd.s32 $0xFFFFE003, lr  }
0x1b: {  	s9 =	sadd.s32 $0xFFFFFEF7, lr;
	s5 =	simm.s32 $0xFFFFFFFF;
	p2 =	slt.u32 s8, $0xFFFFF086  }
0x1c: {  	p1 =	slt.u32 s9, $0xF7A;
	s5 =	simm.s32 @!p2 $0x0  }
0x1d: {  	s5 =	simm.s32 @p1 $0x1;
	p0 =	seq.s32 s7, s2  }
0x1e: {  	s7 =	smul.u32 @!p0 $0xF7A, s2;
	p2 =	seq.s32 @!p0 s5, $0x0  }
0x1f: {  	s9 =	smul.u32 $0xF7A, s1;
	s8 =	simm.s32 @!p0 $0x1BF5;
	p2 =	por !p2, p0  }
0x20: {  	[sflag:s8] =	ssyncset.s32 @!p0 $0xFFFFF086;
	s6 =	sadd.s32 @!p0 s3, s7;
	s7 =	simm.s32 @!p0 $0x108  }
0x21: {  	s3 =	sadd.s32 s3, s9;
	s6 =	sadd.s32 @!p0 $0x88, s6;
	s7 =	simm.s32 @p2 $0x1082  }
0x22: {  	[simem:s7], [sflag:s8] =	dma.local @!p0 [hbm:s6], $0xF7A  }
0x23: {  	s9 =	sor.u32 $0xD0000000, s2;
	s6 =	simm.s32 $0x108;
	_ =	swait.ge @!p0 [sflag:s8], $0x0  }
0x24: {  	s3 =	sadd.s32 $0x88, s3;
	s6 =	simm.s32 @!p1 $0x1082;
	[sflag:s4] =	ssyncset.s32 $0xFFFFF086  }
0x25: {  	[simem:s6], [sflag:s4] =	dma.local [hbm:s3], $0xF7A  }
0x26: {  	[smem:$0x3F9D] =	sst s1;
	(tag) =	ssettag s2;
	_ =	strace s9  }
0x27: {  	s1 =	sld [smem:$0x3FAD]  }
0x28: {  	s2 =	sld [smem:$0x3FAE]  }
0x29: {  	s4 =	sld [smem:$0x3FB0]  }
0x2a: {  	p0 =	seq.s32 s5, $0x0;
	s5 =	sld [smem:$0x3FB1]  }
0x2b: {  	s6 =	sld [smem:$0x3FB2]  }
0x2c: {  	s7 =	sld [smem:$0x3FB3]  }
0x2d: {  	s3 =	simm.s32 $0x108;
	s8 =	sld [smem:$0x3FB4]  }
0x2e: {  	s3 =	simm.s32 @!p0 $0x1082;
	s9 =	sld [smem:$0x3FB5]  }
0x2f: {  	lr =	sadd.s32 s0, s3;
	s0 =	sld [smem:$0x3FAC]  }
0x30: {  	s3 =	sld [smem:$0x3FAF]  }
0x31: {  	[smem:$0x3FB8] =	sst s10  }
0x32: {  	s10 =	sld [smem:$0x3FB6];
	_ =	sdelay $0x3  }
0x33: {  	p0 =	seq.s32 s10, $0x1;
	s10 =	sld [smem:$0x3FB8];
	_ =	sdelay $0x3  }
0x34: {  	[smem:$0x3FB8] =	sst s10  }
0x35: {  	s10 =	sld [smem:$0x3FB7];
	_ =	sdelay $0x3  }
0x36: {  	p1 =	seq.s32 s10, $0x1;
	s10 =	sld [smem:$0x3FB8];
	_ =	sdelay $0x3  }
0x37: {  	[smem:$0x3FB8] =	sst s10  }
0x38: {  	s10 =	sld [smem:$0x3FB9]  }
0x39: {  	_ = 	snop;
	(pc) =	sbr.ind lr, $3  }
0x3a: {  	_ = 	snop  }
0x3b: {  	_ = 	snop  }
0x3c: {  	p2 =	seq.s32 s10, $0x1;
	s10 =	sld [smem:$0x3FB8]  }
0x3d: {  	_ =	shalt  }
0x3e: {  	_ =	shalt  }
0x3f: {  	_ =	shalt  }
0x40: {  	_ =	shalt  }
0x41: {  	_ =	shalt  }
0x42: {  	_ =	shalt  }
0x43: {  	_ =	shalt  }
0x44: {  	_ =	shalt  }
0x45: {  	_ =	shalt  }
0x46: {  	_ =	shalt  }
0x47: {  	_ =	shalt  }
0x48: {  	_ =	shalt  }
0x49: {  	_ =	shalt  }
0x4a: {  	_ =	shalt  }
0x4b: {  	_ =	shalt  }
0x4c: {  	_ =	shalt  }
0x4d: {  	_ =	shalt  }
0x4e: {  	_ =	shalt  }
0x4f: {  	_ =	shalt  }
0x50: {  	_ =	shalt  }
0x51: {  	_ =	shalt  }
0x52: {  	_ =	shalt  }
0x53: {  	_ =	shalt  }
0x54: {  	_ =	shalt  }
0x55: {  	_ =	shalt  }
0x56: {  	_ =	shalt  }
0x57: {  	_ =	shalt  }
0x58: {  	_ =	shalt  }
0x59: {  	_ =	shalt  }
0x5a: {  	_ =	shalt  }
0x5b: {  	_ =	shalt  }
0x5c: {  	_ =	shalt  }
0x5d: {  	_ =	shalt  }
0x5e: {  	_ =	shalt  }
0x5f: {  	_ =	shalt  }
0x60: {  	_ =	shalt  }
0x61: {  	_ =	shalt  }
0x62: {  	_ =	shalt  }
0x63: {  	_ =	shalt  }
0x64: {  	_ =	shalt  }
0x65: {  	_ =	shalt  }
0x66: {  	_ =	shalt  }
0x67: {  	_ =	shalt  }
0x68: {  	_ =	shalt  }
0x69: {  	_ =	shalt  }
0x6a: {  	_ =	shalt  }
0x6b: {  	_ =	shalt  }
0x6c: {  	_ =	shalt  }
0x6d: {  	_ =	shalt  }
0x6e: {  	_ =	shalt  }
0x6f: {  	_ =	shalt  }
0x70: {  	_ =	shalt  }
0x71: {  	_ =	shalt  }
0x72: {  	_ =	shalt  }
0x73: {  	_ =	shalt  }
0x74: {  	_ =	shalt  }
0x75: {  	_ =	shalt  }
0x76: {  	_ =	shalt  }
0x77: {  	_ =	shalt  }
0x78: {  	_ =	shalt  }
0x79: {  	_ =	shalt  }
0x7a: {  	_ =	shalt  }
0x7b: {  	_ =	shalt  }
0x7c: {  	_ =	shalt  }
0x7d: {  	_ =	shalt  }
0x7e: {  	_ =	shalt  }
0x7f: {  	_ =	shalt  }
0x80: {  	_ =	shalt  }
0x81: {  	_ =	shalt  }
0x82: {  	_ =	shalt  }
0x83: {  	_ =	shalt  }
0x84: {  	_ =	shalt  }
0x85: {  	_ =	shalt  }
0x86: {  	_ =	shalt  }
0x87: {  	_ =	shalt  }
.Lfunc_end0:
.L_simem_size_0:
called_computation.1_lowered:
.L_overlay_start_0:
0x88: {  	s2 =	sld [smem:$0x3FD9]  }
0x89: {  	s3 =	sld [smem:$0x3FFE];
	_ =	sdelay $0x1  }
0x8a: {  	s1 =	srdreg.scid  }
0x8b: {  	s0 =	sand.u32 $0x1, s1  }
0x8c: {  	s17 =	sshll.u32 s0, $0xA;
	s2 =	sadd.s32 s3, s2  }
0x8d: {  	s2 =	sadd.s32 s2, s17  }
0x8e: {  	[smem:$0x3FC4] =	sst s2  }
0x8f: {  	_ = 	snop  }
0x90: {  	s2 =	sld [smem:$0x3FD0];
	(tm) =	ssettm $0x1  }
0x91: {  	s18 =	sld [smem:$0x3FFB];
	_ =	sdelay $0x3  }
0x92: {  	_ =	strace s18  }
0x93: {  	s3 =	sld [smem:$0x3FFC];
	_ =	sdelay $0x3  }
0x94: {  	_ =	strace s3  }
0x95: {  	s3 =	sld [smem:$0x3FFD];
	_ =	sdelay $0x3  }
0x96: {  	_ =	strace s3  }
0x97: {  	_ =	strace $0x8FFFFFFF  }
0x98: {  	s19 =	sld [smem:$0x3FDB];
	_ =	sdelay $0x1  }
0x99: {  	s4 =	simm.s32 $_scs_section_size  }
0x9a: {  	s5 =	simm.s32 $_size__tile_overlayer_lowered;
	s6 =	simm.s32 $_tile_overlayer_lowered  }
0x9b: {  	s22 =	simm.s32 $0x1BFF;
	s21 =	sshll.u32 s6, $0x1;
	s3 =	sadd.s32 s4, s19  }
0x9c: {  	s7 =	simm.s32 $0x0;
	s20 =	sshll.u32 s5, $0x1;
	s5 =	sadd.s32 s21, s3  }
0x9d: {  	[timem:s7], [sflag:s22] =	dma.local [hbm:s5], s20  }
0x9e: {  	_ =	swait.ge [sflag:s22], s20  }
0x9f: {  	s4 =	ssub.s32 $0x0, s20;
	[sflag:s22] =	ssyncset.done $0x0  }
0xa0: {  	[sflag:s22] =	ssyncadd.s32 s4;
	_ =	sdelay $0x1  }
0xa1: {  	s23 =	simm.s32 $0x1B8B  }
0xa2: {  	_ =	swait.ge [sflag:s23], $0x1  }
0xa3: {  	[sflag:s23] =	ssyncset.done $0x0  }
0xa4: {  	s25 =	simm.s32 $0x1B8E;
	s24 =	sld [smem:$0x3FFE];
	[sflag:s23] =	ssyncadd.s32 $0xFFFFFFFF  }
0xa5: {  	s26 =	simm.s32 $execute0_lowered;
	[smem:$0x3FD2] =	sst s25  }
0xa6: {  	s5 =	sshll.u32 s26, $0x1;
	_ =	strace $0x80000046;
	[dreg:$0x1] =	wrdreg $0xFFFFFFFF  }
0xa7: {  	s28 =	simm.s32 $_size_execute0_lowered;
	s3 =	sadd.s32 s3, s5;
	[dreg:$0x0] =	wrdreg $0x0  }
0xa8: {  	s5 =	sshll.u32 s28, $0x1;
	[dreg:$0x2] =	wrdreg s3  }
0xa9: {  	[dreg:$0x3] =	wrdreg s5  }
0xaa: {  	[dreg:$0x4] =	wrdreg $0xC0  }
0xab: {  	_ =	task [dreg:s7], $0x5FFFF  }
0xac: {  	[dreg:$0x1] =	wrdreg $0xFFFFFFFF  }
0xad: {  	[dreg:$0x0] =	wrdreg $0x60  }
0xae: {  	[dreg:$0x2] =	wrdreg s24  }
0xaf: {  	[dreg:$0x3] =	wrdreg s2  }
0xb0: {  	[dreg:$0x4] =	wrdreg $0x9  }
0xb1: {  	_ =	task.clear_ibuf [dreg:s7], $0x5FFFF;
	_ =	strace $0x90000046  }
0xb2: {  	s29 =	simm.s32 $0x9;
	_ =	strace $0x80000048  }
0xb3: {  	_ =	swait.ge [sflag:s29], $0x1  }
0xb4: {  	[sflag:s29] =	ssyncadd.s32 $0xFFFFFFFF  }
0xb5: {  	_ =	strace $0x90000048  }
0xb6: {  	_ =	sfence  }
0xb7: {  	s30 =	sld [smem:$0x0];
	_ =	sdelay $0x2  }
0xb8: {  	s31 =	sshll.u32 s1, $0xD;
	s1 =	sshrl.u32 s1, $0x2  }
0xb9: {  	s3 =	sand.u32 $0x4000, s31;
	s1 =	sadd.s32 s1, s30  }
0xba: {  	s0 =	sor.u32 s3, s0;
	s1 =	sshll.u32 s1, $0x11  }
0xbb: {  	s0 =	sor.u32 s1, s0  }
0xbc: {  	s0 =	sadd.s32 $0x8F2B, s0  }
0xbd: {  	[sflag:s0] =	ssyncadd.remote.s32 $0x1  }
0xbe: {  	_ =	sfence.sel $0xFFFF  }
0xbf: {  	[dreg:$0x0] =	wrdreg $0xFFFFFFFF;
	(pc) =	sbr.abs _section_cstart, $3  }
0xc0: {  	[dreg:$0x1] =	wrdreg $0xFFFFFFFF  }
0xc1: {  	_ =	task.clear_ibuf [dreg:s7], $0x2FFFF;
	_ =	strace $0x9FFFFFFF  }
0xc2: {  	(tm) =	ssettm $0x7FFFFFFF  }
0xc3: {  	_ =	shalt  }
tec
execute0_lowered:
.L_overlay_start_1:
0x0: {  	(tag) =	ssettag $0x1  }
0x1: {  	s1 =	srdreg.scid  }
0x2: {  	s0 =	stileid.u32;
	s3 =	rddreg [dreg:$0x0]  }
0x3: {  	s11 =	rddreg [dreg:$0x1];
	s2 =	simm.s32 $0x0;
	s13 =	simm.s32 $0x80  }
0x4: {  	s14 =	simm.s32 $0x6400;
	s15 =	simm.s32 $0x8400;
	s16 =	simm.s32 $0x1  }
0x5: {  	s17 =	simm.s32 $0x3;
	s18 =	simm.s32 $0x100;
	s19 =	simm.s32 $0x2  }
0x6: {  	s20 =	simm.s32 $0x4;
	s21 =	simm.s32 $0x6380;
	s22 =	simm.s32 $0x0  }
0x7: {  	s4 =	sand.u32 $0x1, s1;
	s30 =	sshll.u32 s0, $0x1;
	s8 =	smul.u32 $0x320000, s0  }
0x8: {  	s1 =	rddreg [dreg:$0x2];
	s5 =	sor.u32 s4, s30;
	s10 =	smul.u32 $0x190000, s4  }
0x9: {  	[smem:$0x7FF] =	sst s2;
	s7 =	ssub.s32 $0x2, s4;
	s6 =	smul.u32 $0xC80, s5  }
0xa: {  	_ =	strace $0x80000047;
	s5 =	smul.u32 $0x190000, s5;
	s9 =	sshrl.u32 s7, $0x1  }
0xb: {  	s7 =	ssub.s32 s7, s9;
	s31 =	sadd.s32 s10, s8;
	s6 =	sadd.s32 s6, s3  }
0xc: {  	s3 =	sadd.s32 $0x19800, s3;
	s5 =	sshrl.u32 s5, $0x3;
	s10 =	sor.u32 $0x4000, s31  }
0xd: {  	s12 =	sor.u32 $0x6000, s31;
	s4 =	sadd.s32 $0x800, s6;
	s5 =	sadd.s32 s11, s5  }
0xe: {  	s6 =	smax.u32 s7, $0x1;
	s10 =	sshrl.u32 s10, $0x3;
	s12 =	sshrl.u32 s12, $0x3  }
0xf: {  	s7 =	sadd.s32 $0x400, s5;
	s8 =	sadd.s32 $0x31800, s5;
	s9 =	sadd.s32 $0x31C00, s5  }
0x10: {  	s10 =	sadd.s32 s10, s11;
	s11 =	sadd.s32 s12, s11;
	s12 =	simm.s32 $0x5  }
.LBB2_1:
0x11: {  	[tilespmem:s2], [sflag:$0x5] =	stream.linear.gather [hbm4b:s4+s2], $0x6400, $0x38;
	[tilespmem:$0xA400] =	vst v63  }
0x12: {  	_ =	swait.ge [sflag:s12], $0x6400  }
0x13: {  	[sflag:s12] =	ssyncset.done $0x0  }
0x14: {  	[sflag:s12] =	ssyncadd.s32 $0xFFFF9C00  }
0x15: {  	[tilespmem:s14], [sflag:$0x1] =	stream.indirect.gather [hbm4b:s3+s13], $0x40, s2, s13, $0xb8;
	[tilespmem:$0xA400] =	vst v63  }
0x16: {  	_ = 	snop  }
0x17: {  	[tilespmem:s15], [sflag:$0x2] =	stream.indirect.gather [hbm4b:s3+s13], $0x40, s13, s13, $0xb8;
	[tilespmem:$0xA400] =	vst v63  }
0x18: {  	_ =	swait.ge [sflag:s16], $0x2000  }
0x19: {  	[sflag:s16] =	ssyncset.done $0x0  }
0x1a: {  	[sflag:s16] =	ssyncadd.s32 $0xFFFFE000  }
0x1b: {  	[hbm4b:s5+s2] =	stream.linear.scatter [tilespmem:s14], [sflag:$0x3], $0x2000, $0x38;
	[tilespmem:$0xA400] =	vst v63  }
0x1c: {  	_ =	swait.ge [sflag:s17], $0x2000  }
0x1d: {  	[sflag:s17] =	ssyncset.done $0x0  }
0x1e: {  	[sflag:s17] =	ssyncadd.s32 $0xFFFFE000  }
0x1f: {  	[tilespmem:s14], [sflag:$0x1] =	stream.indirect.gather [hbm4b:s3+s13], $0x40, s18, s13, $0xb8;
	[tilespmem:$0xA400] =	vst v63  }
0x20: {  	_ =	swait.ge [sflag:s19], $0x2000  }
0x21: {  	[sflag:s19] =	ssyncset.done $0x0  }
0x22: {  	[sflag:s19] =	ssyncadd.s32 $0xFFFFE000  }
0x23: {  	[hbm4b:s7+s2] =	stream.linear.scatter [tilespmem:s15], [sflag:$0x4], $0x2000, $0x38;
	[tilespmem:$0xA400] =	vst v63  }
0x24: {  	_ =	swait.ge [sflag:s20], $0x2000  }
0x25: {  	[sflag:s20] =	ssyncset.done $0x0  }
0x26: {  	s23 =	simm.s32 $0x180;
	[sflag:s20] =	ssyncadd.s32 $0xFFFFE000  }
0x27: {  	[tilespmem:s15], [sflag:$0x2] =	stream.indirect.gather [hbm4b:s3+s13], $0x40, s23, s13, $0xb8;
	[tilespmem:$0xA400] =	vst v63  }
0x28: {  	_ =	swait.ge [sflag:s16], $0x2000  }
0x29: {  	[sflag:s16] =	ssyncset.done $0x0  }
0x2a: {  	s30 =	sadd.s32 $0x0, s10;
	[sflag:s16] =	ssyncadd.s32 $0xFFFFE000  }
0x2b: {  	[hbm4b:s30+s2] =	stream.linear.scatter [tilespmem:s14], [sflag:$0x3], $0x2000, $0x38;
	[tilespmem:$0xA400] =	vst v63  }
0x2c: {  	_ =	swait.ge [sflag:s17], $0x2000  }
0x2d: {  	[sflag:s17] =	ssyncset.done $0x0  }
0x2e: {  	s31 =	simm.s32 $0x200;
	[sflag:s17] =	ssyncadd.s32 $0xFFFFE000  }
0x2f: {  	[tilespmem:s14], [sflag:$0x1] =	stream.indirect.gather [hbm4b:s3+s13], $0x40, s31, s13, $0xb8;
	[tilespmem:$0xA400] =	vst v63  }
0x30: {  	_ =	swait.ge [sflag:s19], $0x2000  }
0x31: {  	s25 =	sadd.s32 $0x0, s11;
	[sflag:s19] =	ssyncset.done $0x0  }
0x32: {  	s24 =	simm.s32 $0x300;
	s23 =	simm.s32 $0x800;
	[sflag:s19] =	ssyncadd.s32 $0xFFFFE000  }
.LBB2_2:
0x33: {  	[hbm4b:s25+s2] =	stream.linear.scatter [tilespmem:s15], [sflag:$0x4], $0x2000, $0x38;
	[tilespmem:$0xA400] =	vst v63  }
0x34: {  	s25 =	smov.u32 s23  }
0x35: {  	p0 =	sne.s32 s23, $0x30800;
	s23 =	sadd.s32 $0x800, s23;
	_ =	swait.ge [sflag:s20], $0x2000  }
0x36: {  	[sflag:s20] =	ssyncset.done $0x0  }
0x37: {  	s26 =	sadd.s32 $0xFFFFFF80, s24;
	[sflag:s20] =	ssyncadd.s32 $0xFFFFE000  }
0x38: {  	[tilespmem:s15], [sflag:$0x2] =	stream.indirect.gather [hbm4b:s3+s13], $0x40, s26, s13, $0xb8;
	[tilespmem:$0xA400] =	vst v63  }
0x39: {  	_ =	swait.ge [sflag:s16], $0x2000  }
0x3a: {  	[sflag:s16] =	ssyncset.done $0x0  }
0x3b: {  	s26 =	sadd.s32 s25, s10;
	[sflag:s16] =	ssyncadd.s32 $0xFFFFE000  }
0x3c: {  	[hbm4b:s26+s2] =	stream.linear.scatter [tilespmem:s14], [sflag:$0x3], $0x2000, $0x38;
	[tilespmem:$0xA400] =	vst v63  }
0x3d: {  	_ =	swait.ge [sflag:s17], $0x2000  }
0x3e: {  	[sflag:s17] =	ssyncset.done $0x0  }
.Ltmp0:
0x3f: {  	[sflag:s17] =	ssyncadd.s32 $0xFFFFE000;
	(pc) =	sbr.rel @p0 .LBB2_2-.Ltmp0, $4  }
0x40: {  	[tilespmem:s14], [sflag:$0x1] =	stream.indirect.gather [hbm4b:s3+s13], $0x40, s24, s13, $0xb8;
	[tilespmem:$0xA400] =	vst v63  }
0x41: {  	_ =	swait.ge [sflag:s19], $0x2000  }
0x42: {  	[sflag:s19] =	ssyncset.done $0x0  }
0x43: {  	s25 =	sadd.s32 s25, s11;
	s24 =	sadd.s32 $0x100, s24;
	[sflag:s19] =	ssyncadd.s32 $0xFFFFE000  }
0x44: {  	[hbm4b:s25+s2] =	stream.linear.scatter [tilespmem:s15], [sflag:$0x4], $0x2000, $0x38;
	[tilespmem:$0xA400] =	vst v63  }
0x45: {  	_ =	swait.ge [sflag:s20], $0x2000  }
0x46: {  	[sflag:s20] =	ssyncset.done $0x0  }
0x47: {  	[sflag:s20] =	ssyncadd.s32 $0xFFFFE000  }
0x48: {  	[tilespmem:s15], [sflag:$0x2] =	stream.indirect.gather [hbm4b:s3+s13], $0x40, s21, s13, $0xb8;
	[tilespmem:$0xA400] =	vst v63  }
0x49: {  	_ =	swait.ge [sflag:s16], $0x2000  }
0x4a: {  	[sflag:s16] =	ssyncset.done $0x0  }
0x4b: {  	[sflag:s16] =	ssyncadd.s32 $0xFFFFE000  }
0x4c: {  	[hbm4b:s8+s2] =	stream.linear.scatter [tilespmem:s14], [sflag:$0x3], $0x2000, $0x38;
	[tilespmem:$0xA400] =	vst v63  }
0x4d: {  	_ =	swait.ge [sflag:s19], $0x2000  }
0x4e: {  	[sflag:s19] =	ssyncset.done $0x0  }
0x4f: {  	s22 =	sadd.s32 $0x1, s22;
	[sflag:s19] =	ssyncadd.s32 $0xFFFFE000  }
0x50: {  	[hbm4b:s9+s2] =	stream.linear.scatter [tilespmem:s15], [sflag:$0x4], $0x2000, $0x38;
	[tilespmem:$0xA400] =	vst v63  }
0x51: {  	p0 =	sne.s32 s22, s6;
	_ =	swait.ge [sflag:s17], $0x2000  }
.Ltmp1:
0x52: {  	[sflag:s17] =	ssyncset.done $0x0;
	(pc) =	sbr.rel @p0 .LBB2_1-.Ltmp1, $4  }
0x53: {  	[sflag:s17] =	ssyncadd.s32 $0xFFFFE000  }
0x54: {  	_ =	swait.ge [sflag:s20], $0x2000  }
0x55: {  	[sflag:s20] =	ssyncset.done $0x0  }
0x56: {  	[sflag:s20] =	ssyncadd.s32 $0xFFFFE000  }
0x57: {  	_ =	sfence.sel $0x180000  }
0x58: {  	[bflag:$0x0] =	sbarrier.arrive $0xFFFF  }
0x59: {  	p0 =	sne.s32 s0, $0x0;
	_ =	strace $0x90000047  }
0x5a: {  	s0 =	sadd.s32 @!p0 $0x100000, s1;
	[bflag:$0x2] =	sbarrier.arrive $0xFFFF  }
0x5b: {  	[sflag:s0] =	ssyncadd.tile.s32 @!p0 $0x1;
	_ =	shalt  }
.Lfunc_end2:
_tile_overlayer_lowered:
.L_overlay_start_2:
0x5c: {  	(tag) =	ssettag $0x2  }
0x5d: {  	s0 =	rddreg [dreg:$0x0];
	s2 =	stileid.u32  }
0x5e: {  	s1 =	rddreg [dreg:$0x1];
	p0 =	sne.s32 s2, $0x0  }
0x5f: {  	s3 =	rddreg [dreg:$0x2];
	[bflag:$0x3] =	sbarrier.arrive $0xFFFF;
	s2 =	simm.s32 @!p0 $0x1C05  }
0x60: {  	[timem:s3], [sflag:s2] =	dma.local @!p0 [hbm:s0], s1  }
0x61: {  	s0 =	simm.s32 @!p0 $0x5  }
0x62: {  	_ =	swait.ge @!p0 [sflag:s0], s1  }
0x63: {  	s1 =	ssub.s32 @!p0 $0x0, s1;
	[sflag:s0] =	ssyncset.done @!p0 $0x0  }
0x64: {  	[sflag:s0] =	ssyncadd.s32 @!p0 s1  }
0x65: {  	[bflag:$0x3] =	sbarrier.arrive $0xFFFF  }
0x66: {  	_ =	shalt  }

// kernel: sparse-core-data-format-call.cloned.1.call-start
scs
called_computation_lowered:
.L_overlay_start_0:
0x0: {  	s2 =	sld [smem:$0x3FD9]  }
0x1: {  	s3 =	sld [smem:$0x3FFE];
	_ =	sdelay $0x1  }
0x2: {  	s1 =	srdreg.scid  }
0x3: {  	s0 =	sand.u32 $0x1, s1  }
0x4: {  	s18 =	sshll.u32 s0, $0xA;
	s2 =	sadd.s32 s3, s2  }
0x5: {  	s2 =	sadd.s32 s2, s18  }
0x6: {  	[smem:$0x3FC4] =	sst s2  }
0x7: {  	_ = 	snop  }
0x8: {  	s2 =	sld [smem:$0x3FD0];
	(tm) =	ssettm $0x1  }
0x9: {  	s19 =	sld [smem:$0x3FFB];
	_ =	sdelay $0x3  }
0xa: {  	_ =	strace s19  }
0xb: {  	s3 =	sld [smem:$0x3FFC];
	_ =	sdelay $0x3  }
0xc: {  	_ =	strace s3  }
0xd: {  	s3 =	sld [smem:$0x3FFD];
	_ =	sdelay $0x3  }
0xe: {  	_ =	strace s3  }
0xf: {  	_ =	strace $0x8FFFFFFF  }
0x10: {  	s20 =	sld [smem:$0x3FDB];
	_ =	sdelay $0x1  }
0x11: {  	s4 =	simm.s32 $_scs_section_size  }
0x12: {  	s5 =	simm.s32 $_size__tile_overlayer_lowered;
	s6 =	simm.s32 $_tile_overlayer_lowered  }
0x13: {  	s23 =	simm.s32 $0x1BFF;
	s22 =	sshll.u32 s6, $0x1;
	s3 =	sadd.s32 s4, s20  }
0x14: {  	s7 =	simm.s32 $0x0;
	s21 =	sshll.u32 s5, $0x1;
	s5 =	sadd.s32 s22, s3  }
0x15: {  	[timem:s7], [sflag:s23] =	dma.local [hbm:s5], s21  }
0x16: {  	_ =	swait.ge [sflag:s23], s21  }
0x17: {  	s4 =	ssub.s32 $0x0, s21;
	[sflag:s23] =	ssyncset.done $0x0  }
0x18: {  	[sflag:s23] =	ssyncadd.s32 s4;
	_ =	sdelay $0x1  }
0x19: {  	s24 =	simm.s32 $0x1B8B  }
0x1a: {  	_ =	swait.ge [sflag:s24], $0x1  }
0x1b: {  	[sflag:s24] =	ssyncset.done $0x0  }
0x1c: {  	s26 =	simm.s32 $0x1B8E;
	s25 =	sld [smem:$0x3FFE];
	[sflag:s24] =	ssyncadd.s32 $0xFFFFFFFF  }
0x1d: {  	s27 =	simm.s32 $execute0_lowered;
	[smem:$0x3FD2] =	sst s26  }
0x1e: {  	s5 =	sshll.u32 s27, $0x1;
	_ =	strace $0x80000049;
	[dreg:$0x1] =	wrdreg $0xFFFFFFFF  }
0x1f: {  	s28 =	simm.s32 $_size_execute0_lowered;
	s3 =	sadd.s32 s3, s5;
	[dreg:$0x0] =	wrdreg $0x0  }
0x20: {  	s5 =	sshll.u32 s28, $0x1;
	[dreg:$0x2] =	wrdreg s3  }
0x21: {  	[dreg:$0x3] =	wrdreg s5  }
0x22: {  	[dreg:$0x4] =	wrdreg $0xC0  }
0x23: {  	_ =	task [dreg:s7], $0x5FFFF  }
0x24: {  	[dreg:$0x1] =	wrdreg $0xFFFFFFFF  }
0x25: {  	[dreg:$0x0] =	wrdreg $0x60  }
0x26: {  	[dreg:$0x2] =	wrdreg s25  }
0x27: {  	[dreg:$0x3] =	wrdreg s2  }
0x28: {  	[dreg:$0x4] =	wrdreg $0x9  }
0x29: {  	_ =	task.clear_ibuf [dreg:s7], $0x5FFFF;
	_ =	strace $0x90000049  }
0x2a: {  	s29 =	simm.s32 $0x9;
	_ =	strace $0x8000004B  }
0x2b: {  	_ =	swait.ge [sflag:s29], $0x1  }
0x2c: {  	[sflag:s29] =	ssyncadd.s32 $0xFFFFFFFF  }
0x2d: {  	_ =	strace $0x9000004B  }
0x2e: {  	_ =	sfence  }
0x2f: {  	s30 =	sld [smem:$0x0];
	_ =	sdelay $0x2  }
0x30: {  	s31 =	sshll.u32 s1, $0xD;
	s1 =	sshrl.u32 s1, $0x2  }
0x31: {  	s3 =	sand.u32 $0x4000, s31;
	s1 =	sadd.s32 s1, s30  }
0x32: {  	s0 =	sor.u32 s3, s0;
	s1 =	sshll.u32 s1, $0x11  }
0x33: {  	s0 =	sor.u32 s1, s0  }
0x34: {  	s0 =	sadd.s32 $0x8F2B, s0  }
0x35: {  	[sflag:s0] =	ssyncadd.remote.s32 $0x1  }
0x36: {  	_ =	sfence.sel $0xFFFF  }
0x37: {  	[dreg:$0x0] =	wrdreg $0xFFFFFFFF;
	(pc) =	sbr.abs _section_cstart, $3  }
0x38: {  	[dreg:$0x1] =	wrdreg $0xFFFFFFFF  }
0x39: {  	_ =	task.clear_ibuf [dreg:s7], $0x2FFFF;
	_ =	strace $0x9FFFFFFF  }
0x3a: {  	(tm) =	ssettm $0x7FFFFFFF  }
0x3b: {  	_ =	shalt  }
tec
execute0_lowered:
.L_overlay_start_1:
0x0: {  	(tag) =	ssettag $0x1  }
0x1: {  	s0 =	srdreg.scid  }
0x2: {  	s1 =	sshll.u32 s0, $0x4  }
0x3: {  	s0 =	stileid.u32;
	s1 =	sand.u32 $0x10, s1  }
0x4: {  	s1 =	sor.u32 s0, s1  }
0x5: {  	s6 =	rddreg [dreg:$0x0];
	s4 =	simm.s32 $0x1;
	s2 =	sshll.u32 s1, $0x7  }
0x6: {  	s7 =	simm.s32 $0x2;
	s12 =	simm.s32 $0x0;
	s1 =	ssub.s32 $0x4000, s2  }
0x7: {  	s8 =	simm.s32 $0x20000;
	s13 =	simm.s32 $0x0;
	s3 =	sand.u32 $0xF80, s1  }
0x8: {  	s9 =	simm.s32 $0x0;
	s5 =	sshrl.u32 s1, $0xC;
	p0 =	sne.s32 s3, $0x0  }
.Ltmp0:
0x9: {  	s1 =	rddreg [dreg:$0x2];
	s4 =	simm.s32 @!p0 $0x0;
	(pc) =	sbr.rel .LBB1_1-.Ltmp0, $4  }
0xa: {  	s11 =	simm.s32 $0x0;
	s3 =	rddreg [dreg:$0x1];
	s5 =	sadd.s32 s4, s5  }
0xb: {  	_ =	strace $0x8000004A;
	s4 =	simm.s32 $0x1;
	s5 =	smul.u32 $0x32, s5  }
0xc: {  	s6 =	sadd.s32 $0x800, s6;
	s10 =	smov.u32 s2;
	[sflag:s4] =	ssyncpa.u1 $0x0  }
0xd: {  	p0 =	por $0x0, $0x0;
	[sflag:s7] =	ssyncpa.u1 $0x0;
	s7 =	sor.u32 $0x1, s5  }
.LBB1_4:
0xe: {  	s16 =	sshll.u32 s13, $0x3;
	s17 =	sand.u32 $0x78, s13  }
0xf: {  	s30 =	sand.u32 $0x1F800, s13;
	s12 =	sshll.u32 s12, $0x11;
	s16 =	sand.u32 $0x3C00, s16  }
0x10: {  	[tilespmem:s15+$0x810 ss:$0x81] =	vst.msk $0xffff, v2;
	s31 =	sand.u32 $0x7, s13;
	s16 =	sor.u32 s17, s16;
	s17 =	sadd.s32 s3, s30  }
0x11: {  	[tilespmem:s15+$0x1020 ss:$0x81] =	vst.msk $0xffff, v0;
	s13 =	sshll.u32 s31, $0x12;
	s12 =	sadd.s32 s12, s17;
	s16 =	sshrl.u32 s16, $0x3  }
0x12: {  	[tilespmem:s15+$0x0 ss:$0x81] =	vst.msk $0xffff, v1;
	s13 =	sor.u32 $0x400, s13;
	s12 =	sadd.s32 s16, s12  }
0x13: {  	[hbm4b:s12+s13] =	stream.strided.scatter [tilespmem:s14], [sflag:$0x2], $0x2000, s8, s13, $0x20;
	[tilespmem:$0x8080] =	vst v63  }
.LBB1_5:
0x14: {  	s14 =	sadd.s32 $0x1, s9  }
0x15: {  	s12 =	sadd.s32 $0x1000, s10;
	s16 =	smov.u32 s10;
	p2 =	sgt.s32 s14, $0x31  }
0x16: {  	s16 =	smov.u32 @p2 s12  }
0x17: {  	s14 =	simm.s32 @p2 $0x0;
	p2 =	sgt.s32 s16, $0x3FFF  }
0x18: {  	s16 =	smov.u32 @p2 s2;
	p2 =	sne.s32 s11, s7  }
.Ltmp1:
0x19: {  	p1 =	slt.u32 s11, $0x2;
	(pc) =	sbr.rel @!p2 .LBB1_6-.Ltmp1, $4  }
0x1a: {  	s15 =	simm.s32 @!p1 $0x2  }
0x1b: {  	s13 =	smov.u32 s10;
	p0 =	por !p0, !p0;
	_ =	swait.ge @!p1 [sflag:s15], $0x2000  }
0x1c: {  	s12 =	smov.u32 s9;
	[sflag:s15] =	ssyncset.done @!p1 $0x0;
	s9 =	smov.u32 s14  }
0x1d: {  	s11 =	sadd.s32 $0x1, s11;
	[sflag:s15] =	ssyncadd.s32 @!p1 $0xFFFFE000;
	s10 =	smov.u32 s16  }
.LBB1_1:
0x1e: {  	p1 =	sge.u32 s11, s5  }
0x1f: {  	s14 =	sand.u32 @!p1 $0x1FFFFFF, s9  }
0x20: {  	s15 =	smulhi.u32 @!p1 $0x4924925, s14;
	_ =	sdelay $0x1  }
0x21: {  	s15 =	smul.u32 @!p1 $0x38, s15  }
0x22: {  	s16 =	sxor.u32 @!p1 $0xFFFFFFFF, s11;
	s17 =	smul.u32 @!p1 $0x380, s10  }
0x23: {  	s31 =	sadd.s32 $0xFFFFFFFF, s11;
	s16 =	sshll.u32 @!p1 s16, $0xD;
	s14 =	ssub.s32 @!p1 s14, s15  }
0x24: {  	s15 =	sand.u32 @!p1 $0x2000, s16;
	s16 =	sadd.s32 @!p1 s6, s17;
	s14 =	sshll.u32 @!p1 s14, $0x4  }
0x25: {  	s17 =	simm.s32 @!p1 $0x1C00;
	s14 =	sadd.s32 @!p1 s14, s16;
	s16 =	simm.s32 @!p1 $0x40  }
0x26: {  	[tilespmem:s15], [sflag:$0x1] =	stream.strided.gather @!p1 [hbm4b:s14+s16], $0x2000, s17, s16, $0x38;
	[tilespmem:$0x8080] =	vst v63  }
0x27: {  	p1 =	sge.u32 s31, s5  }
.Ltmp2:
0x28: {  	_ = 	snop;
	(pc) =	sbr.rel @p1 .LBB1_5-.Ltmp2, $1  }
0x29: {  	_ =	sdelay $0x3  }
0x2a: {  	s14 =	simm.s32 $0x1  }
0x2b: {  	_ =	swait.ge [sflag:s4], $0x2000;
	s14 =	simm.s32 @!p0 $0x0  }
0x2c: {  	[sflag:s4] =	ssyncset.done $0x0;
	s15 =	sshll.u32 s14, $0xD  }
0x2d: {  	[sflag:s4] =	ssyncadd.s32 $0xFFFFE000;
	s18 =	sor.u32 $0x20, s15  }
0x2e: {  	s14 =	smul.u32 $0x8100, s14;
	v3 =	vld [tilespmem:s18+$0x10]  }
0x2f: {  	s30 =	sand.u32 $0x1, s11;
	v2 =	vld [tilespmem:s18+$0xFFFFFFF0]  }
0x30: {  	s15 =	smul.u32 $0x8100, s30;
	s14 =	sshrl.u32 s14, $0x2;
	v0 =	vld [tilespmem:s18+$0x0]  }
0x31: {  	v1 =	vld [tilespmem:s18+$0xFFFFFFE0];
	s16 =	sor.u32 $0x4000, s14  }
0x32: {  	s31 =	sshrl.u32 s15, $0x2;
	s15 =	sadd.s32 $0x0, s16  }
0x33: {  	s17 =	simm.s32 $0x4;
	s18 =	sadd.s32 $0x40, s18;
	s14 =	sor.u32 $0x4000, s31;
	[tilespmem:s15+$0x1830 ss:$0x81] =	vst.msk $0xffff, v3  }
.LBB1_3:
0x34: {  	v3 =	vld [tilespmem:s18+$0x10];
	p1 =	sne.s32 s17, $0x1FC;
	[tilespmem:s15+$0x810 ss:$0x81] =	vst.msk $0xffff, v2;
	s19 =	smov.u32 s17;
	s17 =	sadd.s32 $0x4, s17  }
.Ltmp3:
0x35: {  	v2 =	vld [tilespmem:s18+$0xFFFFFFF0];
	[tilespmem:s15+$0x1020 ss:$0x81] =	vst.msk $0xffff, v0;
	(pc) =	sbr.rel @p1 .LBB1_3-.Ltmp3, $4  }
0x36: {  	v0 =	vld [tilespmem:s18+$0x0];
	[tilespmem:s15+$0x0 ss:$0x81] =	vst.msk $0xffff, v1  }
0x37: {  	s15 =	sshra.s32 s19, $0x2;
	v1 =	vld [tilespmem:s18+$0xFFFFFFE0]  }
0x38: {  	s15 =	sadd.s32 s15, s16  }
0x39: {  	s18 =	sadd.s32 $0x40, s18;
	[tilespmem:s15+$0x1830 ss:$0x81] =	vst.msk $0xffff, v3  }
.Ltmp4:
0x3a: {  	_ = 	snop;
	(pc) =	sbr.rel .LBB1_4-.Ltmp4, $1  }
0x3b: {  	_ =	sdelay $0x3  }
.LBB1_6:
0x3c: {  	_ =	sfence.sel $0x180000  }
0x3d: {  	s2 =	simm.s32 $0x1;
	[bflag:$0x0] =	sbarrier.arrive $0xFFFF  }
0x3e: {  	s31 =	simm.s32 $0x2;
	[sflag:s2] =	ssyncpa.u1 $0x1  }
0x3f: {  	[sflag:s31] =	ssyncpa.u1 $0x1  }
0x40: {  	p0 =	sne.s32 s0, $0x0;
	_ =	strace $0x9000004A  }
0x41: {  	s0 =	sadd.s32 @!p0 $0x100000, s1;
	[bflag:$0x2] =	sbarrier.arrive $0xFFFF  }
0x42: {  	[sflag:s0] =	ssyncadd.tile.s32 @!p0 $0x1;
	_ =	shalt  }
.Lfunc_end1:
_tile_overlayer_lowered:
.L_overlay_start_2:
0x43: {  	(tag) =	ssettag $0x2  }
0x44: {  	s0 =	rddreg [dreg:$0x0];
	s2 =	stileid.u32  }
0x45: {  	s1 =	rddreg [dreg:$0x1];
	p0 =	sne.s32 s2, $0x0  }
0x46: {  	s3 =	rddreg [dreg:$0x2];
	[bflag:$0x3] =	sbarrier.arrive $0xFFFF;
	s2 =	simm.s32 @!p0 $0x1C01  }
0x47: {  	[timem:s3], [sflag:s2] =	dma.local @!p0 [hbm:s0], s1  }
0x48: {  	s0 =	simm.s32 @!p0 $0x1  }
0x49: {  	_ =	swait.ge @!p0 [sflag:s0], s1  }
0x4a: {  	s1 =	ssub.s32 @!p0 $0x0, s1;
	[sflag:s0] =	ssyncset.done @!p0 $0x0  }
0x4b: {  	[sflag:s0] =	ssyncadd.s32 @!p0 s1  }
0x4c: {  	[bflag:$0x3] =	sbarrier.arrive $0xFFFF  }
0x4d: {  	_ =	shalt  }

</sc_bundles>
